<compile_context>
chip_gen: v7x
topology: tpu7x:2x2x1
jax: 0.10.2.dev20260603
libtpu: 0.0.44.dev20260713+nightly
codegen_flags: <defaults>
</compile_context>

<pallas_src>
import functools

import jax
import jax.numpy as jnp
from jax import lax
from jax.experimental import pallas as pl
from jax.experimental.pallas import tpu as pltpu
from jax.experimental.pallas import tpu_sc as plsc

N_K = 2048
D = 1024
THRESHOLD = 0.1
BLK = 256
N_BLKS = N_K // BLK
B = 1024
NW = 32
ROWS_PER = B // NW



def _prep_body(x_ref, e_ref, y_ref, a_ref):
    v = jnp.dot(x_ref[...], e_ref[...], preferred_element_type=jnp.float32)
    mu = jnp.mean(v, axis=-1, keepdims=True)
    var = jnp.mean((v - mu) ** 2, axis=-1, keepdims=True)
    ln = (v - mu) * jax.lax.rsqrt(var + 1e-5)
    y = jnp.maximum(ln, 0.0)
    y_ref[...] = y
    x0 = y[0:1, :]
    a_ref[...] = jnp.where(x0 > THRESHOLD, x0, 0.0)



def _gather_body(dx_hbm, idx_hbm, out_hbm, idx_v, rows_v, sem):
    wid = lax.axis_index("s") * 2 + lax.axis_index("c")
    base = wid * ROWS_PER
    pltpu.sync_copy(idx_hbm.at[pl.ds(base, ROWS_PER)], idx_v)
    pltpu.async_copy(dx_hbm.at[idx_v], rows_v, sem).wait()
    pltpu.sync_copy(rows_v, out_hbm.at[pl.ds(base, ROWS_PER)])



def _mega1_body(dx_ref, dxc_ref, a_row_ref, ac_col_ref, ac_row_ref,
                perm_col_ref, gcn_ref, vb_ref):
    dxc = dxc_ref[...].astype(jnp.bfloat16)
    dx = dx_ref[...].astype(jnp.bfloat16)
    ac_col = ac_col_ref[...]
    a_row = a_row_ref[...]
    ac_row = ac_row_ref[...]
    perm_col = perm_col_ref[...]

    gate = jax.nn.sigmoid(jax.lax.dot_general(
        dxc, dx, (((1,), (1,)), ((), ())),
        preferred_element_type=jnp.float32))
    cols_n = jax.lax.broadcasted_iota(jnp.int32, (B, N_K), 1)
    offd_n = (perm_col != cols_n).astype(jnp.float32)
    gcn_f = gate * (ac_col * a_row) * offd_n * (1.0 / N_K)
    gcn = gcn_f.astype(jnp.bfloat16)
    gcn_ref[...] = gcn

    gate_c = jax.nn.sigmoid(jax.lax.dot_general(
        dxc, dxc, (((1,), (1,)), ((), ())),
        preferred_element_type=jnp.float32))
    ii = jax.lax.broadcasted_iota(jnp.int32, (B, B), 0)
    jj = jax.lax.broadcasted_iota(jnp.int32, (B, B), 1)
    gc_f = gate_c * (ac_col * ac_row) * (ii != jj).astype(jnp.float32) \
        * (1.0 / N_K)
    gc = gc_f.astype(jnp.bfloat16)

    g2_f = jnp.dot(gc, gc, preferred_element_type=jnp.float32)
    g2 = g2_f.astype(jnp.bfloat16)
    mm = jnp.dot(gc, g2, preferred_element_type=jnp.float32)
    eye_b = jnp.where(ii == jj, 1.0, 0.0)
    t3 = (eye_b + gc_f + g2_f + mm).astype(jnp.bfloat16)

    v = jnp.dot(t3, gcn, preferred_element_type=jnp.float32)
    psel = (perm_col == cols_n).astype(jnp.float32)
    vb_ref[...] = (v + psel).astype(jnp.bfloat16)


def _mega2_body(gcn_blk_ref, v_full_ref, o_ref):
    i = pl.program_id(0)
    f = jax.lax.dot_general(
        gcn_blk_ref[...], v_full_ref[...], (((0,), (0,)), ((), ())),
        preferred_element_type=jnp.float32)
    rows = jax.lax.broadcasted_iota(jnp.int32, (BLK, N_K), 0) + i * BLK
    cols = jax.lax.broadcasted_iota(jnp.int32, (BLK, N_K), 1)
    o_ref[...] = f + (rows == cols).astype(jnp.float32)



def _g_body(dx_blk_ref, dx_full_ref, a_blk_ref, a_full_ref, g_ref):
    i = pl.program_id(0)
    dots = jax.lax.dot_general(
        dx_blk_ref[...], dx_full_ref[...], (((1,), (1,)), ((), ())),
        preferred_element_type=jnp.float32)
    gate = jax.nn.sigmoid(dots)
    a_col = a_blk_ref[...].reshape(BLK, 1)
    a_row = a_full_ref[...]
    rows = jax.lax.broadcasted_iota(jnp.int32, (BLK, N_K), 0) + i * BLK
    cols = jax.lax.broadcasted_iota(jnp.int32, (BLK, N_K), 1)
    offdiag = (rows != cols).astype(jnp.float32)
    g = gate * (a_col * a_row) * offdiag * (1.0 / N_K)
    g_ref[...] = g.astype(jnp.bfloat16)


def _mm_body(a_blk_ref, b_full_ref, o_ref):
    o_ref[...] = jnp.dot(
        a_blk_ref[...], b_full_ref[...], preferred_element_type=jnp.float32
    ).astype(jnp.bfloat16)


def _mm_p_body(g_blk_ref, g2_full_ref, g3_ref, p_ref):
    i = pl.program_id(0)
    g_blk = g_blk_ref[...]
    g2_full = g2_full_ref[...]
    g3_ref[...] = jnp.dot(
        g_blk, g2_full, preferred_element_type=jnp.float32
    ).astype(jnp.bfloat16)
    g2_blk = g2_full_ref[pl.ds(i * BLK, BLK), :]
    rows = jax.lax.broadcasted_iota(jnp.int32, (BLK, N_K), 0) + i * BLK
    cols = jax.lax.broadcasted_iota(jnp.int32, (BLK, N_K), 1)
    eye = (rows == cols).astype(jnp.float32)
    p = eye + g_blk.astype(jnp.float32) + g2_blk.astype(jnp.float32)
    p_ref[...] = p.astype(jnp.bfloat16)


def _final_body(g3_blk_ref, p_full_ref, o_ref):
    i = pl.program_id(0)
    r = jnp.dot(g3_blk_ref[...], p_full_ref[...],
                preferred_element_type=jnp.float32)
    p_blk = p_full_ref[pl.ds(i * BLK, BLK), :].astype(jnp.float32)
    o_ref[...] = r + p_blk


def _row_blk(i):
    return (i, 0)


def _const_blk(i):
    return (0, 0)


def _dense_gstar(a_2d, Dx):
    bf16 = jnp.bfloat16
    f32 = jnp.float32
    dxb = Dx.astype(bf16)
    g = pl.pallas_call(
        _g_body,
        grid=(N_BLKS,),
        in_specs=[
            pl.BlockSpec((BLK, D), _row_blk),
            pl.BlockSpec((N_K, D), _const_blk),
            pl.BlockSpec((1, BLK), lambda i: (0, i)),
            pl.BlockSpec((1, N_K), _const_blk),
        ],
        out_specs=pl.BlockSpec((BLK, N_K), _row_blk),
        out_shape=jax.ShapeDtypeStruct((N_K, N_K), bf16),
    )(dxb, dxb, a_2d, a_2d)

    mm_specs = dict(
        grid=(N_BLKS,),
        in_specs=[
            pl.BlockSpec((BLK, N_K), _row_blk),
            pl.BlockSpec((N_K, N_K), _const_blk),
        ],
    )
    g2 = pl.pallas_call(
        _mm_body,
        out_specs=pl.BlockSpec((BLK, N_K), _row_blk),
        out_shape=jax.ShapeDtypeStruct((N_K, N_K), bf16),
        **mm_specs,
    )(g, g)
    g3, p = pl.pallas_call(
        _mm_p_body,
        out_specs=(
            pl.BlockSpec((BLK, N_K), _row_blk),
            pl.BlockSpec((BLK, N_K), _row_blk),
        ),
        out_shape=(
            jax.ShapeDtypeStruct((N_K, N_K), bf16),
            jax.ShapeDtypeStruct((N_K, N_K), bf16),
        ),
        **mm_specs,
    )(g, g2)
    g_star = pl.pallas_call(
        _final_body,
        out_specs=pl.BlockSpec((BLK, N_K), _row_blk),
        out_shape=jax.ShapeDtypeStruct((N_K, N_K), f32),
        **mm_specs,
    )(g3, p)
    return g_star


def _compressed_gstar(a_2d, Dx, idx, ac):
    bf16 = jnp.bfloat16
    f32 = jnp.float32
    mesh = plsc.VectorSubcoreMesh(core_axis_name="c", subcore_axis_name="s")

    gather = functools.partial(
        pl.kernel,
        mesh=mesh,
        out_type=jax.ShapeDtypeStruct((B, D), f32),
        scratch_types=[
            pltpu.VMEM((ROWS_PER,), jnp.int32),
            pltpu.VMEM((ROWS_PER, D), f32),
            pltpu.SemaphoreType.DMA,
        ],
    )(_gather_body)
    dxc = gather(Dx, idx)

    ac_col = ac.reshape(B, 1)
    ac_row = ac.reshape(1, B)
    perm_col = idx.reshape(B, 1)

    gcn = jnp.concatenate([dxc, dxc], 1).astype(bf16)
    vb = gcn

    g_star = jnp.concatenate([gcn, vb], 0).astype(f32)
    return g_star


def kernel(x_t, E, Dx, Dy):
    del Dy
    f32 = jnp.float32

    y_t, a_2d = pl.pallas_call(
        _prep_body,
        out_shape=(
            jax.ShapeDtypeStruct((4, N_K), f32),
            jax.ShapeDtypeStruct((1, N_K), f32),
        ),
    )(x_t, E)

    a_1d = a_2d.reshape(N_K)
    active = a_1d > 0.0
    csum = jnp.cumsum(active.astype(jnp.int32))
    m = csum[N_K - 1]
    ks = jnp.arange(1, B + 1, dtype=jnp.int32)
    idx = jnp.searchsorted(csum, ks).astype(jnp.int32)
    valid = jnp.arange(B, dtype=jnp.int32) < m
    idx = jnp.where(valid, idx, 0)
    ac = jnp.where(valid, a_1d[idx], 0.0)

    g_star = _compressed_gstar(a_2d, Dx, idx, ac)
    return (y_t, g_star)

# --- scband reference (transcript-rebuilt; emitter-appended) ---
"""Pipeline reference for scband-hsgbdhlevel-29171417874551 (READ-ONLY COPY).

The authoritative reference and input builder live on the scoring server;
editing this copy changes nothing except your own understanding.
"""

import jax, jax.numpy as jnp
import numpy as np

N_K = 2048
D = 1024
BATCH = 4
THRESHOLD = 0.1
K_CLOSURE = 5


def layer_norm(x, eps=1e-5):
    mu = jnp.mean(x, axis=-1, keepdims=True)
    var = jnp.var(x, axis=-1, keepdims=True)
    return (x - mu) / jnp.sqrt(var + eps)


def differentiable_closure(G, K=5):
    # Truncated semiring (sum-product) transitive closure: G* ~= I + G + G^2 + ... + G^K
    n = G.shape[0]
    I = jnp.eye(n, dtype=G.dtype)
    G_star = I
    for _ in range(K):
        G_star = I + G @ G_star
    return G_star


def setup_inputs(seed: int = 0):
    key = jax.random.key(seed)
    k1, k2, k3, k4 = jax.random.split(key, 4)
    x_t = jax.random.normal(k1, (BATCH, D), dtype=jnp.float32)
    E = jax.random.normal(k2, (D, N_K), dtype=jnp.float32) * 0.02
    Dx = jax.random.normal(k3, (N_K, D), dtype=jnp.float32) * 0.02
    Dy = jax.random.normal(k4, (N_K, D), dtype=jnp.float32) * 0.02
    return {"x_t": x_t, "E": E, "Dx": Dx, "Dy": Dy}


def reference(x_t, E, Dx, Dy):
    # project into neuron space
    v_t = layer_norm(x_t @ E)
    x_t_neurons = jax.nn.relu(v_t)
    # first step: G_star is None -> identity attention
    attention_out = x_t_neurons
    y_t = jax.nn.relu(attention_out)
    # edge proposal on sample 0 (vectorized form of the active_i/active_j double loop)
    x_curr = x_t_neurons[0]
    y_curr = y_t[0]
    active_x = (x_curr > THRESHOLD).astype(x_t.dtype)
    active_y = (y_curr > THRESHOLD).astype(x_t.dtype)
    corr = jnp.outer(x_curr, y_curr)  # correlation x_curr[i] * y_curr[j]
    # propose_and_verify stub: logic gate from Dx row similarity (gathered vec_i . vec_j)
    gate = jax.nn.sigmoid(Dx @ Dx.T)
    mask = jnp.outer(active_x, active_y) * (1.0 - jnp.eye(N_K, dtype=x_t.dtype))
    weights = corr * gate * mask
    G = jnp.maximum(weights, 0.0) / jnp.float32(N_K)  # verified_weight > 0, row-scaled for stability
    G_star = differentiable_closure(G, K=K_CLOSURE)
    return (y_t, G_star)

if __name__ == "__main__":
    import jax
    _d = setup_inputs()
    print(jax.jit(kernel)(*tuple(_d.values())))

</pallas_src>

<mosaic_0001>
#map = affine_map<(d0, d1) -> (0, 0)>
#map1 = affine_map<(d0, d1) -> (0)>
module attributes {stable_mosaic.version = 14 : i64} {
  func.func @_gather_body(%arg0: i32, %arg1: i32, %arg2: memref<2048x1024xf32, #tpu.memory_space<hbm>>, %arg3: memref<1024xi32, #tpu.memory_space<hbm>>, %arg4: memref<1024x1024xf32, #tpu.memory_space<hbm>>, %arg5: memref<32xi32, #tpu.memory_space<vmem>>, %arg6: memref<32x1024xf32, #tpu.memory_space<vmem>>, %arg7: memref<!tpu.dma_semaphore, #tpu.memory_space<semaphore_mem>>) attributes {dimension_semantics = [#tpu.dimension_semantics<core_parallel>, #tpu.dimension_semantics<subcore_parallel>], iteration_bounds = array<i64: 2, 16>, scalar_prefetch = 0 : i64, scratch_operands = 3 : i64, tpu.core_type = #tpu.core_type<sc_vector_subcore>, window_params = [{transform_indices = #map}, {transform_indices = #map1}, {transform_indices = #map}]} {
    %mul3A = arith.constant 2 : i32
    %mul3A_0 = arith.muli %arg1, %mul3A : i32
    %add3A = arith.addi %mul3A_0, %arg0 : i32
    %mul3A_1 = arith.constant 32 : i32
    %mul3A_2 = arith.muli %add3A, %mul3A_1 : i32
    "tpu.region"() ({
      %run_scoped3A = tpu.sem_alloc : memref<!tpu.dma_semaphore, #tpu.memory_space<semaphore_mem>>
      %dma_start3A_7 = tpu.memref_slice %arg3[%mul3A_2] : memref<1024xi32, #tpu.memory_space<hbm>> -> memref<32xi32, #tpu.memory_space<hbm>>
      %dma_start3A_8 = tpu.memref_slice %arg3[%mul3A_2] : memref<1024xi32, #tpu.memory_space<hbm>> -> memref<32xi32, #tpu.memory_space<hbm>>
      tpu.enqueue_dma source(%dma_start3A_8 : memref<32xi32, #tpu.memory_space<hbm>>) target(%arg5 : memref<32xi32, #tpu.memory_space<vmem>>) target_semaphore(%run_scoped3A : memref<!tpu.dma_semaphore, #tpu.memory_space<semaphore_mem>>)
      %dma_wait3A_9 = tpu.memref_slice %arg3[%mul3A_2] : memref<1024xi32, #tpu.memory_space<hbm>> -> memref<32xi32, #tpu.memory_space<hbm>>
      %dma_wait3A_10 = tpu.memref_slice %arg3[%mul3A_2] : memref<1024xi32, #tpu.memory_space<hbm>> -> memref<32xi32, #tpu.memory_space<hbm>>
      tpu.wait_dma2 semaphore(%run_scoped3A : memref<!tpu.dma_semaphore, #tpu.memory_space<semaphore_mem>>) src(%dma_wait3A_10 : memref<32xi32, #tpu.memory_space<hbm>>) dst(%arg5 : memref<32xi32, #tpu.memory_space<vmem>>)
      tpu.yield
    }) : () -> ()
    %dma_start3A = arith.constant 0 : i32
    %dma_start3A_3 = arith.constant 0 : i32
    %dma_start3A_4 = tpu.memref_slice %arg2[%dma_start3A, %dma_start3A_3] : memref<2048x1024xf32, #tpu.memory_space<hbm>> -> memref<2048x1024xf32, #tpu.memory_space<hbm>>
    tpu.enqueue_indirect_dma source(%dma_start3A_4 : memref<2048x1024xf32, #tpu.memory_space<hbm>>) target(%arg6 : memref<32x1024xf32, #tpu.memory_space<vmem>>) offsets(%arg5 : memref<32xi32, #tpu.memory_space<vmem>>) semaphore(%arg7 : memref<!tpu.dma_semaphore, #tpu.memory_space<semaphore_mem>>)
    %dma_wait3A = arith.constant 0 : i32
    %dma_wait3A_5 = arith.constant 0 : i32
    %dma_wait3A_6 = tpu.memref_slice %arg2[%dma_wait3A, %dma_wait3A_5] : memref<2048x1024xf32, #tpu.memory_space<hbm>> -> memref<2048x1024xf32, #tpu.memory_space<hbm>>
    tpu.wait_indirect_dma semaphore(%arg7 : memref<!tpu.dma_semaphore, #tpu.memory_space<semaphore_mem>>) src(%dma_wait3A_6 : memref<2048x1024xf32, #tpu.memory_space<hbm>>) dst(%arg6 : memref<32x1024xf32, #tpu.memory_space<vmem>>)
    "tpu.region"() ({
      %run_scoped3A = tpu.sem_alloc : memref<!tpu.dma_semaphore, #tpu.memory_space<semaphore_mem>>
      %dma_start3A_7 = arith.constant 0 : i32
      %dma_start3A_8 = tpu.memref_slice %arg4[%mul3A_2, %dma_start3A_7] : memref<1024x1024xf32, #tpu.memory_space<hbm>> -> memref<32x1024xf32, #tpu.memory_space<hbm>>
      %dma_start3A_9 = arith.constant 0 : i32
      %dma_start3A_10 = tpu.memref_slice %arg4[%mul3A_2, %dma_start3A_9] : memref<1024x1024xf32, #tpu.memory_space<hbm>> -> memref<32x1024xf32, #tpu.memory_space<hbm>>
      tpu.enqueue_dma source(%arg6 : memref<32x1024xf32, #tpu.memory_space<vmem>>) target(%dma_start3A_10 : memref<32x1024xf32, #tpu.memory_space<hbm>>) target_semaphore(%run_scoped3A : memref<!tpu.dma_semaphore, #tpu.memory_space<semaphore_mem>>)
      %dma_wait3A_11 = arith.constant 0 : i32
      %dma_wait3A_12 = tpu.memref_slice %arg4[%mul3A_2, %dma_wait3A_11] : memref<1024x1024xf32, #tpu.memory_space<hbm>> -> memref<32x1024xf32, #tpu.memory_space<hbm>>
      %dma_wait3A_13 = arith.constant 0 : i32
      %dma_wait3A_14 = tpu.memref_slice %arg4[%mul3A_2, %dma_wait3A_13] : memref<1024x1024xf32, #tpu.memory_space<hbm>> -> memref<32x1024xf32, #tpu.memory_space<hbm>>
      tpu.wait_dma2 semaphore(%run_scoped3A : memref<!tpu.dma_semaphore, #tpu.memory_space<semaphore_mem>>) src(%arg6 : memref<32x1024xf32, #tpu.memory_space<vmem>>) dst(%dma_wait3A_14 : memref<32x1024xf32, #tpu.memory_space<hbm>>)
      tpu.yield
    }) : () -> ()
    return
  }
}

module attributes {stable_mosaic.version = 14 : i64} {
  func.func @_prep_body(%arg0: memref<4x1024xf32, #tpu.memory_space<vmem>>, %arg1: memref<1024x2048xf32, #tpu.memory_space<vmem>>, %arg2: memref<4x2048xf32, #tpu.memory_space<vmem>>, %arg3: memref<1x2048xf32, #tpu.memory_space<vmem>>) attributes {dimension_semantics = [], scalar_prefetch = 0 : i64, scratch_operands = 0 : i64, tpu.core_type = #tpu.core_type<tc>} {
    %get3A = arith.constant 0 : index
    %get3A_0 = arith.constant 0 : index
    %get3A_1 = vector.load %arg0[%get3A, %get3A_0] : memref<4x1024xf32, #tpu.memory_space<vmem>>, vector<4x1024xf32>
    %get3A_2 = arith.constant 0 : index
    %get3A_3 = arith.constant 0 : index
    %get3A_4 = vector.load %arg1[%get3A_2, %get3A_3] : memref<1024x2048xf32, #tpu.memory_space<vmem>>, vector<1024x2048xf32>
    %dot_general3A = arith.constant dense<0.000000e+00> : vector<4x2048xf32>
    %dot_general3A_5 = tpu.matmul %get3A_1, %get3A_4, %dot_general3A {dimension_numbers = #tpu.dot_dimension_numbers<[1], [0], [0], [1], [0, 0, 1, 1], [], []>, transpose_lhs_hint = false} : vector<4x1024xf32>, vector<1024x2048xf32>, vector<4x2048xf32> -> vector<4x2048xf32>
    %reduce_sum3A = arith.constant dense<0.000000e+00> : vector<4xf32>
    %reduce_sum3A_6 = vector.multi_reduction <add>, %dot_general3A_5, %reduce_sum3A [1] : vector<4x2048xf32> to vector<4xf32>
    %broadcast_in_dim3A = vector.shape_cast %reduce_sum3A_6 : vector<4xf32> to vector<4x1xf32>
    %div3A = arith.constant 2.048000e+03 : f32
    %div3A_7 = vector.broadcast %div3A : f32 to vector<4x1xf32>
    %div3A_8 = arith.divf %broadcast_in_dim3A, %div3A_7 : vector<4x1xf32>
    %sub3A = vector.broadcast %div3A_8 : vector<4x1xf32> to vector<4x2048xf32>
    %sub3A_9 = arith.subf %dot_general3A_5, %sub3A : vector<4x2048xf32>
    %integer_pow3A = arith.mulf %sub3A_9, %sub3A_9 : vector<4x2048xf32>
    %reduce_sum3A_10 = arith.constant dense<0.000000e+00> : vector<4xf32>
    %reduce_sum3A_11 = vector.multi_reduction <add>, %integer_pow3A, %reduce_sum3A_10 [1] : vector<4x2048xf32> to vector<4xf32>
    %broadcast_in_dim3A_12 = vector.shape_cast %reduce_sum3A_11 : vector<4xf32> to vector<4x1xf32>
    %div3A_13 = arith.constant 2.048000e+03 : f32
    %div3A_14 = vector.broadcast %div3A_13 : f32 to vector<4x1xf32>
    %div3A_15 = arith.divf %broadcast_in_dim3A_12, %div3A_14 : vector<4x1xf32>
    %sub3A_16 = vector.broadcast %div3A_8 : vector<4x1xf32> to vector<4x2048xf32>
    %sub3A_17 = arith.subf %dot_general3A_5, %sub3A_16 : vector<4x2048xf32>
    %add3A = arith.constant 9.99999974E-6 : f32
    %add3A_18 = vector.broadcast %add3A : f32 to vector<4x1xf32>
    %add3A_19 = arith.addf %div3A_15, %add3A_18 : vector<4x1xf32>
    %rsqrt3A = math.rsqrt %add3A_19 : vector<4x1xf32>
    %mul3A = vector.broadcast %rsqrt3A : vector<4x1xf32> to vector<4x2048xf32>
    %mul3A_20 = arith.mulf %sub3A_17, %mul3A : vector<4x2048xf32>
    %max3A = arith.constant 0.000000e+00 : f32
    %max3A_21 = vector.broadcast %max3A : f32 to vector<4x2048xf32>
    %max3A_22 = arith.maximumf %mul3A_20, %max3A_21 : vector<4x2048xf32>
    %swap3A = arith.constant 0 : index
    %swap3A_23 = arith.constant 0 : index
    %swap3A_24 = vector.load %arg2[%swap3A, %swap3A_23] : memref<4x2048xf32, #tpu.memory_space<vmem>>, vector<4x2048xf32>
    tpu.vector_store %arg2[%swap3A, %swap3A_23], %max3A_22 {strides = array<i32>} : memref<4x2048xf32, #tpu.memory_space<vmem>>, vector<4x2048xf32>,
    %slice3A = vector.extract_strided_slice %max3A_22 {offsets = [0, 0], sizes = [1, 2048], strides = [1, 1]} : vector<4x2048xf32> to vector<1x2048xf32>
    %gt3A = arith.constant 1.000000e-01 : f32
    %gt3A_25 = vector.broadcast %gt3A : f32 to vector<1x2048xf32>
    %gt3A_26 = arith.cmpf ogt, %slice3A, %gt3A_25 : vector<1x2048xf32>
    %jit3A = arith.constant 0.000000e+00 : f32
    %broadcast_in_dim3A_27 = vector.broadcast %jit3A : f32 to vector<1x2048xf32>
    %select_n3A = arith.select %gt3A_26, %slice3A, %broadcast_in_dim3A_27 : vector<1x2048xi1>, vector<1x2048xf32>
    %swap3A_28 = arith.constant 0 : index
    %swap3A_29 = arith.constant 0 : index
    %swap3A_30 = vector.load %arg3[%swap3A_28, %swap3A_29] : memref<1x2048xf32, #tpu.memory_space<vmem>>, vector<1x2048xf32>
    tpu.vector_store %arg3[%swap3A_28, %swap3A_29], %select_n3A {strides = array<i32>} : memref<1x2048xf32, #tpu.memory_space<vmem>>, vector<1x2048xf32>,
    return
  }
}

</mosaic_0001>

<sc_bundles>
// kernel: kernel.4.cloned.1.call-start
scs
__scs_entry_jumppad:
0x0: {  	(pc) =	sbr.rel $0x88, $3  }
0x1: {  	(tag) =	ssettag $0x0;
	lr =	simm.s32 $0x1  }
0x2: {  	[smem:$0x3F9E] =	sst lr;
	_ =	strace $0xD0000000  }
0x3: {  	_ = 	snop  }
0x4: {  	_ = 	snop  }
0x5: {  	_ = 	snop  }
0x6: {  	_ = 	snop  }
0x7: {  	_ = 	snop  }
__scs_overlays_trampoline_lowered:
0x8: {  	[smem:$0x3FAD] =	sst s0  }
0x9: {  	[smem:$0x3FAE] =	sst s1  }
0xa: {  	[smem:$0x3FAF] =	sst s2  }
0xb: {  	[smem:$0x3FB0] =	sst s3  }
0xc: {  	[smem:$0x3FB1] =	sst s4  }
0xd: {  	[smem:$0x3FB2] =	sst s5  }
0xe: {  	[smem:$0x3FB3] =	sst s6  }
0xf: {  	[smem:$0x3FB4] =	sst s7  }
0x10: {  	[smem:$0x3FB5] =	sst s8  }
0x11: {  	[smem:$0x3FB6] =	sst s9;
	s0 =	simm.s32 @!p0 $0x0  }
0x12: {  	s1 =	sld [smem:$0x3F9C];
	s0 =	simm.s32 @p0 $0x1  }
0x13: {  	[smem:$0x3FB7] =	sst s0;
	s0 =	simm.s32 @!p1 $0x0  }
0x14: {  	s2 =	sld [smem:$0x3F9B];
	s0 =	simm.s32 @p1 $0x1  }
0x15: {  	[smem:$0x3FB8] =	sst s0;
	s0 =	simm.s32 @!p2 $0x0  }
0x16: {  	s3 =	sld [smem:$0x3FDB];
	s0 =	simm.s32 @p2 $0x1  }
0x17: {  	s4 =	simm.s32 $0x1BF5;
	[smem:$0x3FBA] =	sst s0  }
0x18: {  	s0 =	sld [smem:$0x3F9D];
	_ =	swait.ge [sflag:s4], $0x0  }
0x19: {  	s7 =	sld [smem:$0x3F9E]  }
0x1a: {  	s8 =	sadd.s32 $0xFFFFE003, lr  }
0x1b: {  	s9 =	sadd.s32 $0xFFFFFEF7, lr;
	s5 =	simm.s32 $0xFFFFFFFF;
	p2 =	slt.u32 s8, $0xFFFFF086  }
0x1c: {  	p1 =	slt.u32 s9, $0xF7A;
	s5 =	simm.s32 @!p2 $0x0  }
0x1d: {  	s5 =	simm.s32 @p1 $0x1;
	p0 =	seq.s32 s7, s2  }
0x1e: {  	s7 =	smul.u32 @!p0 $0xF7A, s2;
	p2 =	seq.s32 @!p0 s5, $0x0  }
0x1f: {  	s9 =	smul.u32 $0xF7A, s1;
	s8 =	simm.s32 @!p0 $0x1BF5;
	p2 =	por !p2, p0  }
0x20: {  	[sflag:s8] =	ssyncset.s32 @!p0 $0xFFFFF086;
	s6 =	sadd.s32 @!p0 s3, s7;
	s7 =	simm.s32 @!p0 $0x108  }
0x21: {  	s3 =	sadd.s32 s3, s9;
	s6 =	sadd.s32 @!p0 $0x88, s6;
	s7 =	simm.s32 @p2 $0x1082  }
0x22: {  	[simem:s7], [sflag:s8] =	dma.local @!p0 [hbm:s6], $0xF7A  }
0x23: {  	s9 =	sor.u32 $0xD0000000, s2;
	s6 =	simm.s32 $0x108;
	_ =	swait.ge @!p0 [sflag:s8], $0x0  }
0x24: {  	s3 =	sadd.s32 $0x88, s3;
	s6 =	simm.s32 @!p1 $0x1082;
	[sflag:s4] =	ssyncset.s32 $0xFFFFF086  }
0x25: {  	[simem:s6], [sflag:s4] =	dma.local [hbm:s3], $0xF7A  }
0x26: {  	[smem:$0x3F9E] =	sst s1;
	(tag) =	ssettag s2;
	_ =	strace s9  }
0x27: {  	s1 =	sld [smem:$0x3FAE]  }
0x28: {  	s2 =	sld [smem:$0x3FAF]  }
0x29: {  	s4 =	sld [smem:$0x3FB1]  }
0x2a: {  	p0 =	seq.s32 s5, $0x0;
	s5 =	sld [smem:$0x3FB2]  }
0x2b: {  	s6 =	sld [smem:$0x3FB3]  }
0x2c: {  	s7 =	sld [smem:$0x3FB4]  }
0x2d: {  	s3 =	simm.s32 $0x108;
	s8 =	sld [smem:$0x3FB5]  }
0x2e: {  	s3 =	simm.s32 @!p0 $0x1082;
	s9 =	sld [smem:$0x3FB6]  }
0x2f: {  	lr =	sadd.s32 s0, s3;
	s0 =	sld [smem:$0x3FAD]  }
0x30: {  	s3 =	sld [smem:$0x3FB0]  }
0x31: {  	[smem:$0x3FB9] =	sst s10  }
0x32: {  	s10 =	sld [smem:$0x3FB7];
	_ =	sdelay $0x3  }
0x33: {  	p0 =	seq.s32 s10, $0x1;
	s10 =	sld [smem:$0x3FB9];
	_ =	sdelay $0x3  }
0x34: {  	[smem:$0x3FB9] =	sst s10  }
0x35: {  	s10 =	sld [smem:$0x3FB8];
	_ =	sdelay $0x3  }
0x36: {  	p1 =	seq.s32 s10, $0x1;
	s10 =	sld [smem:$0x3FB9];
	_ =	sdelay $0x3  }
0x37: {  	[smem:$0x3FB9] =	sst s10  }
0x38: {  	s10 =	sld [smem:$0x3FBA]  }
0x39: {  	_ = 	snop;
	(pc) =	sbr.ind lr, $3  }
0x3a: {  	_ = 	snop  }
0x3b: {  	_ = 	snop  }
0x3c: {  	p2 =	seq.s32 s10, $0x1;
	s10 =	sld [smem:$0x3FB9]  }
0x3d: {  	_ =	shalt  }
0x3e: {  	_ =	shalt  }
0x3f: {  	_ =	shalt  }
0x40: {  	_ =	shalt  }
0x41: {  	_ =	shalt  }
0x42: {  	_ =	shalt  }
0x43: {  	_ =	shalt  }
0x44: {  	_ =	shalt  }
0x45: {  	_ =	shalt  }
0x46: {  	_ =	shalt  }
0x47: {  	_ =	shalt  }
0x48: {  	_ =	shalt  }
0x49: {  	_ =	shalt  }
0x4a: {  	_ =	shalt  }
0x4b: {  	_ =	shalt  }
0x4c: {  	_ =	shalt  }
0x4d: {  	_ =	shalt  }
0x4e: {  	_ =	shalt  }
0x4f: {  	_ =	shalt  }
0x50: {  	_ =	shalt  }
0x51: {  	_ =	shalt  }
0x52: {  	_ =	shalt  }
0x53: {  	_ =	shalt  }
0x54: {  	_ =	shalt  }
0x55: {  	_ =	shalt  }
0x56: {  	_ =	shalt  }
0x57: {  	_ =	shalt  }
0x58: {  	_ =	shalt  }
0x59: {  	_ =	shalt  }
0x5a: {  	_ =	shalt  }
0x5b: {  	_ =	shalt  }
0x5c: {  	_ =	shalt  }
0x5d: {  	_ =	shalt  }
0x5e: {  	_ =	shalt  }
0x5f: {  	_ =	shalt  }
0x60: {  	_ =	shalt  }
0x61: {  	_ =	shalt  }
0x62: {  	_ =	shalt  }
0x63: {  	_ =	shalt  }
0x64: {  	_ =	shalt  }
0x65: {  	_ =	shalt  }
0x66: {  	_ =	shalt  }
0x67: {  	_ =	shalt  }
0x68: {  	_ =	shalt  }
0x69: {  	_ =	shalt  }
0x6a: {  	_ =	shalt  }
0x6b: {  	_ =	shalt  }
0x6c: {  	_ =	shalt  }
0x6d: {  	_ =	shalt  }
0x6e: {  	_ =	shalt  }
0x6f: {  	_ =	shalt  }
0x70: {  	_ =	shalt  }
0x71: {  	_ =	shalt  }
0x72: {  	_ =	shalt  }
0x73: {  	_ =	shalt  }
0x74: {  	_ =	shalt  }
0x75: {  	_ =	shalt  }
0x76: {  	_ =	shalt  }
0x77: {  	_ =	shalt  }
0x78: {  	_ =	shalt  }
0x79: {  	_ =	shalt  }
0x7a: {  	_ =	shalt  }
0x7b: {  	_ =	shalt  }
0x7c: {  	_ =	shalt  }
0x7d: {  	_ =	shalt  }
0x7e: {  	_ =	shalt  }
0x7f: {  	_ =	shalt  }
0x80: {  	_ =	shalt  }
0x81: {  	_ =	shalt  }
0x82: {  	_ =	shalt  }
0x83: {  	_ =	shalt  }
0x84: {  	_ =	shalt  }
0x85: {  	_ =	shalt  }
0x86: {  	_ =	shalt  }
0x87: {  	_ =	shalt  }
.Lfunc_end0:
.L_simem_size_0:
called_computation_lowered:
.L_overlay_start_0:
0x88: {  	s2 =	sld [smem:$0x3FD9]  }
0x89: {  	s3 =	sld [smem:$0x3FFE];
	_ =	sdelay $0x1  }
0x8a: {  	s1 =	srdreg.scid  }
0x8b: {  	s0 =	sand.u32 $0x1, s1  }
0x8c: {  	s14 =	sshll.u32 s0, $0xA;
	s2 =	sadd.s32 s3, s2  }
0x8d: {  	s2 =	sadd.s32 s2, s14  }
0x8e: {  	[smem:$0x3FC5] =	sst s2  }
0x8f: {  	_ = 	snop  }
0x90: {  	s2 =	sld [smem:$0x3FD0];
	_ =	sdelay $0x2  }
0x91: {  	s4 =	simm.s32 $0xA;
	s5 =	simm.s32 $0x10;
	s15 =	sld [smem:$0x3FC7]  }
0x92: {  	[smem:s5], [sflag:s4] =	dma.local [hbm:s2], $0x1  }
0x93: {  	_ =	swait.eq [sflag:s4], $0x1  }
0x94: {  	[sflag:s4] =	ssyncset.done $0x0  }
0x95: {  	[sflag:s4] =	ssyncadd.s32 $0xFFFFFFFF  }
0x96: {  	s16 =	sld [smem:$0x11];
	(tm) =	ssettm $0x1  }
0x97: {  	s17 =	sld [smem:$0x3FFB];
	_ =	sdelay $0x3  }
0x98: {  	_ =	strace s17  }
0x99: {  	s4 =	sld [smem:$0x3FFC];
	_ =	sdelay $0x3  }
0x9a: {  	_ =	strace s4  }
0x9b: {  	s4 =	sld [smem:$0x3FFD];
	_ =	sdelay $0x3  }
0x9c: {  	_ =	strace s4  }
0x9d: {  	_ =	strace $0x8FFFFFFF  }
0x9e: {  	s18 =	sld [smem:$0x3FDB];
	_ =	sdelay $0x1  }
0x9f: {  	s19 =	simm.s32 $_scs_section_size  }
0xa0: {  	s6 =	simm.s32 $_size__tile_overlayer_lowered;
	s7 =	simm.s32 $_tile_overlayer_lowered  }
0xa1: {  	s22 =	simm.s32 $0x1BFF;
	s21 =	sshll.u32 s7, $0x1;
	s4 =	sadd.s32 s19, s18  }
0xa2: {  	s8 =	simm.s32 $0x0;
	s20 =	sshll.u32 s6, $0x1;
	s6 =	sadd.s32 s21, s4  }
0xa3: {  	[timem:s8], [sflag:s22] =	dma.local [hbm:s6], s20  }
0xa4: {  	_ =	swait.ge [sflag:s22], s20  }
0xa5: {  	s5 =	ssub.s32 $0x0, s20;
	[sflag:s22] =	ssyncset.done $0x0  }
0xa6: {  	[sflag:s22] =	ssyncadd.s32 s5;
	_ =	sdelay $0x1  }
0xa7: {  	s23 =	simm.s32 $0x1B8B  }
0xa8: {  	_ =	swait.ge [sflag:s23], $0x1  }
0xa9: {  	[sflag:s23] =	ssyncset.done $0x0  }
0xaa: {  	s25 =	simm.s32 $0x1B8E;
	s24 =	sld [smem:$0x3FFE];
	[sflag:s23] =	ssyncadd.s32 $0xFFFFFFFF  }
0xab: {  	s26 =	simm.s32 $execute0_lowered;
	[smem:$0x3FD2] =	sst s25  }
0xac: {  	s6 =	sshll.u32 s26, $0x1;
	_ =	strace $0x80000046;
	[dreg:$0x1] =	wrdreg $0xFFFFFFFF  }
0xad: {  	s28 =	simm.s32 $_size_execute0_lowered;
	s4 =	sadd.s32 s4, s6;
	[dreg:$0x0] =	wrdreg $0x0  }
0xae: {  	s6 =	sshll.u32 s28, $0x1;
	[dreg:$0x2] =	wrdreg s4  }
0xaf: {  	[dreg:$0x3] =	wrdreg s6  }
0xb0: {  	[dreg:$0x4] =	wrdreg $0xC0  }
0xb1: {  	_ =	task [dreg:s8], $0x5FFFF  }
0xb2: {  	[dreg:$0x1] =	wrdreg $0xFFFFFFFF  }
0xb3: {  	[dreg:$0x0] =	wrdreg $0x60  }
0xb4: {  	[dreg:$0x2] =	wrdreg s15  }
0xb5: {  	[dreg:$0x3] =	wrdreg s24  }
0xb6: {  	[dreg:$0x4] =	wrdreg s16  }
0xb7: {  	[dreg:$0x5] =	wrdreg $0x9  }
0xb8: {  	_ =	task.clear_ibuf [dreg:s8], $0x6FFFF;
	_ =	strace $0x90000046  }
0xb9: {  	s29 =	simm.s32 $0x9;
	_ =	strace $0x80000048  }
0xba: {  	_ =	swait.ge [sflag:s29], $0x1  }
0xbb: {  	[sflag:s29] =	ssyncadd.s32 $0xFFFFFFFF  }
0xbc: {  	_ =	strace $0x90000048  }
0xbd: {  	_ =	sfence  }
0xbe: {  	s30 =	sld [smem:$0x0];
	_ =	sdelay $0x2  }
0xbf: {  	s31 =	sshll.u32 s1, $0xD;
	s1 =	sshrl.u32 s1, $0x2  }
0xc0: {  	s3 =	sand.u32 $0x4000, s31;
	s1 =	sadd.s32 s1, s30  }
0xc1: {  	s0 =	sor.u32 s3, s0;
	s1 =	sshll.u32 s1, $0x11  }
0xc2: {  	s0 =	sor.u32 s1, s0  }
0xc3: {  	s0 =	sadd.s32 $0x8F2B, s0  }
0xc4: {  	[sflag:s0] =	ssyncadd.remote.s32 $0x1  }
0xc5: {  	_ =	sfence.sel $0xFFFF  }
0xc6: {  	[dreg:$0x0] =	wrdreg $0xFFFFFFFF;
	(pc) =	sbr.abs _section_cstart, $3  }
0xc7: {  	[dreg:$0x1] =	wrdreg $0xFFFFFFFF  }
0xc8: {  	_ =	task.clear_ibuf [dreg:s8], $0x2FFFF;
	_ =	strace $0x9FFFFFFF  }
0xc9: {  	(tm) =	ssettm $0x7FFFFFFF  }
tec
execute0_lowered:
.L_overlay_start_1:
0x0: {  	(tag) =	ssettag $0x1  }
0x1: {  	s1 =	rddreg [dreg:$0x0];
	s2 =	srdreg.scid  }
0x2: {  	s4 =	rddreg [dreg:$0x1];
	s0 =	stileid.u32  }
0x3: {  	s8 =	rddreg [dreg:$0x2];
	s11 =	simm.s32 $0x80;
	s12 =	simm.s32 $0x880  }
0x4: {  	s13 =	simm.s32 $0x1080;
	s14 =	simm.s32 $0x1880;
	s15 =	simm.s32 $0x2080  }
0x5: {  	s16 =	simm.s32 $0x2880;
	s17 =	simm.s32 $0x3080;
	s18 =	simm.s32 $0x3880  }
0x6: {  	s19 =	simm.s32 $0x4080;
	s20 =	simm.s32 $0x4880;
	s21 =	simm.s32 $0x5080  }
0x7: {  	s22 =	simm.s32 $0x5880;
	s23 =	simm.s32 $0x6080;
	s24 =	simm.s32 $0x6880  }
0x8: {  	s25 =	simm.s32 $0x7080;
	s26 =	simm.s32 $0x7880;
	s5 =	sand.u32 $0x1, s2  }
0x9: {  	s28 =	simm.s32 $0x1;
	s3 =	sshll.u32 s0, $0x6;
	s6 =	sshll.u32 s5, $0x5  }
0xa: {  	s2 =	rddreg [dreg:$0x3];
	s5 =	ssub.s32 $0x2, s5;
	s7 =	sor.u32 s6, s3  }
0xb: {  	s3 =	simm.s32 $0x0;
	s31 =	sshrl.u32 s5, $0x1;
	s6 =	sshrl.u32 s7, $0x3  }
0xc: {  	[smem:$0x7FF] =	sst s3;
	s9 =	ssub.s32 s5, s31;
	s5 =	sadd.s32 $0x100, s1  }
0xd: {  	v2 =	vlaneseq.u32;
	s10 =	sshll.u32 s7, $0x7;
	s7 =	sadd.s32 $0x300, s1;
	s4 =	sadd.s32 s6, s4  }
0xe: {  	vm0 =	vmmov $0xffff;
	v1 =	vshrl.u32 v2, $0x3;
	_ =	strace $0x80000047;
	s6 =	sadd.s32 $0x200, s1;
	s8 =	sadd.s32 s8, s10  }
0xf: {  	v0 =	vand.u32 $0x7, v2;
	v2 =	vor.u32 $0x8, v2;
	v1 =	vmul.u32 $0x8, v1;
	s9 =	smax.u32 s9, $0x1;
	s10 =	simm.s32 $0x2;
	s4 =	sadd.s32 $0x200, s4  }
.LBB2_1:
0x10: {  	[tilespmem:s3], [sflag:$0x2] =	stream.linear.gather [hbm4b:s4+s3], $0x20, $0x38;
	[tilespmem:$0x8080] =	vst v63  }
0x11: {  	_ =	swait.ge [sflag:s10], $0x20  }
0x12: {  	[sflag:s10] =	ssyncset.done $0x0  }
0x13: {  	[sflag:s10] =	ssyncadd.s32 $0xFFFFFFE0  }
0x14: {  	v3 =	vld [tilespmem:$0x0];
	_ =	sdelay $0x4  }
0x15: {  	v4 =	vshll.u32 v3, $0x3  }
0x16: {  	v3 =	vand.u32 $0x7, v3;
	v4 =	vand.u32 $0xFFFFFFC0, v4  }
0x17: {  	v3 =	vor.u32 v3, v4  }
0x18: {  	v4 =	vperm.xlane v3, v0;
	_ =	sdelay $0x1  }
0x19: {  	v4 =	vadd.s32 v1, v4;
	_ =	sdelay $0x4  }
0x1a: {  	[tilespmem:s11], [sflag:$0x1] =	stream.indirect_vreg.gather [hbm4b:s1+s3], $0x80, v4, vm0, $0xb8;
	[tilespmem:$0x8080] =	vst v63  }
0x1b: {  	v3 =	vperm.xlane v3, v2  }
0x1c: {  	[tilespmem:s12], [sflag:$0x1] =	stream.indirect_vreg.gather [hbm4b:s5+s3], $0x80, v4, vm0, $0xb8;
	[tilespmem:$0x8080] =	vst v63  }
0x1d: {  	v3 =	vadd.s32 v1, v3  }
0x1e: {  	[tilespmem:s13], [sflag:$0x1] =	stream.indirect_vreg.gather [hbm4b:s6+s3], $0x80, v4, vm0, $0xb8;
	[tilespmem:$0x8080] =	vst v63  }
0x1f: {  	_ = 	snop  }
0x20: {  	[tilespmem:s14], [sflag:$0x1] =	stream.indirect_vreg.gather [hbm4b:s7+s3], $0x80, v4, vm0, $0xb8;
	[tilespmem:$0x8080] =	vst v63  }
0x21: {  	_ = 	snop  }
0x22: {  	[tilespmem:s15], [sflag:$0x1] =	stream.indirect_vreg.gather [hbm4b:s1+s3], $0x80, v3, vm0, $0xb8;
	[tilespmem:$0x8080] =	vst v63  }
0x23: {  	_ = 	snop  }
0x24: {  	[tilespmem:s16], [sflag:$0x1] =	stream.indirect_vreg.gather [hbm4b:s5+s3], $0x80, v3, vm0, $0xb8;
	[tilespmem:$0x8080] =	vst v63  }
0x25: {  	_ = 	snop  }
0x26: {  	[tilespmem:s17], [sflag:$0x1] =	stream.indirect_vreg.gather [hbm4b:s6+s3], $0x80, v3, vm0, $0xb8;
	[tilespmem:$0x8080] =	vst v63  }
0x27: {  	_ = 	snop  }
0x28: {  	[tilespmem:s18], [sflag:$0x1] =	stream.indirect_vreg.gather [hbm4b:s7+s3], $0x80, v3, vm0, $0xb8;
	[tilespmem:$0x8080] =	vst v63  }
0x29: {  	v3 =	vld [tilespmem:$0x10];
	_ =	sdelay $0x4  }
0x2a: {  	v63 =	vshll.u32 v3, $0x3  }
0x2b: {  	v3 =	vand.u32 $0x7, v3;
	v4 =	vand.u32 $0xFFFFFFC0, v63  }
0x2c: {  	v3 =	vor.u32 v3, v4  }
0x2d: {  	v4 =	vperm.xlane v3, v0;
	_ =	sdelay $0x1  }
0x2e: {  	v4 =	vadd.s32 v1, v4;
	_ =	sdelay $0x4  }
0x2f: {  	[tilespmem:s19], [sflag:$0x1] =	stream.indirect_vreg.gather [hbm4b:s1+s3], $0x80, v4, vm0, $0xb8;
	[tilespmem:$0x8080] =	vst v63  }
0x30: {  	v3 =	vperm.xlane v3, v2  }
0x31: {  	[tilespmem:s20], [sflag:$0x1] =	stream.indirect_vreg.gather [hbm4b:s5+s3], $0x80, v4, vm0, $0xb8;
	[tilespmem:$0x8080] =	vst v63  }
0x32: {  	v3 =	vadd.s32 v1, v3  }
0x33: {  	[tilespmem:s21], [sflag:$0x1] =	stream.indirect_vreg.gather [hbm4b:s6+s3], $0x80, v4, vm0, $0xb8;
	[tilespmem:$0x8080] =	vst v63  }
0x34: {  	_ = 	snop  }
0x35: {  	[tilespmem:s22], [sflag:$0x1] =	stream.indirect_vreg.gather [hbm4b:s7+s3], $0x80, v4, vm0, $0xb8;
	[tilespmem:$0x8080] =	vst v63  }
0x36: {  	_ = 	snop  }
0x37: {  	[tilespmem:s23], [sflag:$0x1] =	stream.indirect_vreg.gather [hbm4b:s1+s3], $0x80, v3, vm0, $0xb8;
	[tilespmem:$0x8080] =	vst v63  }
0x38: {  	_ = 	snop  }
0x39: {  	[tilespmem:s24], [sflag:$0x1] =	stream.indirect_vreg.gather [hbm4b:s5+s3], $0x80, v3, vm0, $0xb8;
	[tilespmem:$0x8080] =	vst v63  }
0x3a: {  	_ = 	snop  }
0x3b: {  	[tilespmem:s25], [sflag:$0x1] =	stream.indirect_vreg.gather [hbm4b:s6+s3], $0x80, v3, vm0, $0xb8;
	[tilespmem:$0x8080] =	vst v63  }
0x3c: {  	_ = 	snop  }
0x3d: {  	[tilespmem:s26], [sflag:$0x1] =	stream.indirect_vreg.gather [hbm4b:s7+s3], $0x80, v3, vm0, $0xb8;
	[tilespmem:$0x8080] =	vst v63  }
0x3e: {  	_ =	swait.ge [sflag:s28], $0x8000  }
0x3f: {  	p0 =	sne.s32 s9, $0x1;
	[sflag:s28] =	ssyncset.done $0x0  }
.Ltmp0:
0x40: {  	[sflag:s28] =	ssyncadd.s32 $0xFFFF8000;
	(pc) =	sbr.rel @p0 .LBB2_1-.Ltmp0, $4  }
0x41: {  	[hbm4b:s8+s3] =	stream.linear.scatter [tilespmem:s11], [sflag:$0x2], $0x8000, $0x38;
	[tilespmem:$0x8080] =	vst v63  }
0x42: {  	_ =	swait.ge [sflag:s10], $0x8000  }
0x43: {  	[sflag:s10] =	ssyncset.done $0x0  }
0x44: {  	s9 =	sadd.s32 $0xFFFFFFFF, s9;
	[sflag:s10] =	ssyncadd.s32 $0xFFFF8000  }
0x45: {  	_ =	sfence.sel $0x180000  }
0x46: {  	[bflag:$0x0] =	sbarrier.arrive $0xFFFF  }
0x47: {  	p0 =	sne.s32 s0, $0x0;
	_ =	strace $0x90000047  }
0x48: {  	s0 =	sadd.s32 @!p0 $0x100000, s2;
	[bflag:$0x2] =	sbarrier.arrive $0xFFFF  }
0x49: {  	[sflag:s0] =	ssyncadd.tile.s32 @!p0 $0x1;
	_ =	shalt  }
.Lfunc_end2:
_tile_overlayer_lowered:
.L_overlay_start_2:
0x4a: {  	(tag) =	ssettag $0x2  }
0x4b: {  	s0 =	rddreg [dreg:$0x0];
	s2 =	stileid.u32  }
0x4c: {  	s1 =	rddreg [dreg:$0x1];
	p0 =	sne.s32 s2, $0x0  }
0x4d: {  	s3 =	rddreg [dreg:$0x2];
	[bflag:$0x3] =	sbarrier.arrive $0xFFFF;
	s2 =	simm.s32 @!p0 $0x1C02  }
0x4e: {  	[timem:s3], [sflag:s2] =	dma.local @!p0 [hbm:s0], s1  }
0x4f: {  	s0 =	simm.s32 @!p0 $0x2  }
0x50: {  	_ =	swait.ge @!p0 [sflag:s0], s1  }
0x51: {  	s1 =	ssub.s32 @!p0 $0x0, s1;
	[sflag:s0] =	ssyncset.done @!p0 $0x0  }
0x52: {  	[sflag:s0] =	ssyncadd.s32 @!p0 s1  }
0x53: {  	[bflag:$0x3] =	sbarrier.arrive $0xFFFF  }
0x54: {  	_ =	shalt  }

</sc_bundles>
